<compile_context>
chip_gen: v7x
topology: tpu7x:2x2x1
jax: 0.10.2.dev20260603
libtpu: 0.0.44.dev20260713+nightly
codegen_flags: <defaults>
</compile_context>

<pallas_src>
import functools

import jax
import jax.numpy as jnp
from jax import lax
from jax.experimental import pallas as pl
from jax.experimental.pallas import tpu as pltpu
from jax.experimental.pallas import tpu_sc as plsc

_NUM_CORES = 2
_NUM_SUBCORES = 16
_LANES = 16
_NW = _NUM_CORES * _NUM_SUBCORES

_B, _S = 16384, 200
_V, _D = 50, 12
_N = _B * _S
_PER_W = _N // _NW
_CHUNK = 2048
_STEPS = _CHUNK // _LANES
_NCHUNK = _PER_W // _CHUNK


def _gather_body(idx_hbm, tab_hbm, out_hbm, tab_v, idx_v, out_v):
    cid = lax.axis_index("c")
    sid = lax.axis_index("s")
    wid = sid * _NUM_CORES + cid
    base = wid * _PER_W

    pltpu.sync_copy(tab_hbm, tab_v)

    lane = lax.iota(jnp.int32, _LANES)

    def chunk_body(c, _):
        cbase = base + c * _CHUNK
        pltpu.sync_copy(idx_hbm.at[pl.ds(cbase, _CHUNK)], idx_v)

        def step(s, _):
            ind16 = idx_v[pl.ds(s * _LANES, _LANES)]
            src = ind16 * _D
            dst = lane * _D + s * (_LANES * _D)
            for d in range(_D):
                vals = plsc.load_gather(tab_v, [src + d])
                plsc.store_scatter(out_v, [dst + d], vals)
            return 0

        lax.fori_loop(0, _STEPS, step, 0, unroll=False)
        pltpu.sync_copy(out_v, out_hbm.at[pl.ds(cbase * _D, _CHUNK * _D)])
        return 0

    lax.fori_loop(0, _NCHUNK, chunk_body, 0, unroll=False)


@jax.jit
def _sc_gather(idx_flat, tab_flat):
    mesh = plsc.VectorSubcoreMesh(
        core_axis_name="c", subcore_axis_name="s",
        num_cores=_NUM_CORES, num_subcores=_NUM_SUBCORES,
    )
    return pl.kernel(
        _gather_body,
        out_type=jax.ShapeDtypeStruct((_N * _D,), jnp.float32),
        mesh=mesh,
        compiler_params=pltpu.CompilerParams(needs_layout_passes=False),
        scratch_types=[
            pltpu.VMEM((_V * _D,), jnp.float32),
            pltpu.VMEM((_CHUNK,), jnp.int32),
            pltpu.VMEM((_CHUNK * _D,), jnp.float32),
        ],
    )(idx_flat, tab_flat)


def _linear_body(x_ref, wt_ref, b_ref, o_ref):
    o_ref[...] = (
        jnp.dot(x_ref[...], wt_ref[...], preferred_element_type=jnp.float32)
        + b_ref[...]
    )


@jax.jit
def _tc_linear(x, wt, b2):
    return pl.pallas_call(
        _linear_body,
        out_shape=jax.ShapeDtypeStruct(x.shape, jnp.float32),
    )(x, wt, b2)


def kernel(indices, linear_in, emb_table, W, b):
    idx_flat = indices.reshape(_N)
    tab_flat = emb_table.reshape(_V * _D)
    a = _sc_gather(idx_flat, tab_flat).reshape(_B, _S, _D)
    q = _tc_linear(linear_in, W.T, b.reshape(1, -1))
    return (a, q)

# --- scband reference (transcript-rebuilt; emitter-appended) ---
"""Pipeline reference for scband-embedding-with-linear-21311627723081 (READ-ONLY COPY).

The authoritative reference and input builder live on the scoring server;
editing this copy changes nothing except your own understanding.
"""

import jax, jax.numpy as jnp
import numpy as np


def setup_inputs(seed: int = 0) -> dict:
    key = jax.random.key(seed)
    k1, k2, k3, k4, k5 = jax.random.split(key, 5)
    indices = jax.random.randint(k1, (16384, 200), 0, 50)
    linear_in = jax.random.normal(k2, (16384, 5), dtype=jnp.float32)
    emb_table = jax.random.normal(k3, (50, 12), dtype=jnp.float32)
    W = jax.random.normal(k4, (5, 5), dtype=jnp.float32) * 0.4
    b = jax.random.normal(k5, (5,), dtype=jnp.float32) * 0.1
    return {"indices": indices, "linear_in": linear_in, "emb_table": emb_table, "W": W, "b": b}


def reference(indices, linear_in, emb_table, W, b):
    # a = self.emb(indices)  -> embedding gather
    a = jnp.take(emb_table, indices, axis=0)
    # QuantStub/DeQuantStub are identity in eager (non-converted) mode,
    # so the linear branch is just fc(linear_in).
    q = linear_in @ W.T + b
    return (a, q)

if __name__ == "__main__":
    import jax
    _d = setup_inputs()
    print(jax.jit(kernel)(*tuple(_d.values())))

</pallas_src>

<mosaic_0001>
#map = affine_map<(d0, d1) -> (0)>
module attributes {stable_mosaic.version = 14 : i64} {
  func.func @_gather_body(%arg0: i32, %arg1: i32, %arg2: memref<3276800xi32, #tpu.memory_space<hbm>>, %arg3: memref<600xf32, #tpu.memory_space<hbm>>, %arg4: memref<39321600xf32, #tpu.memory_space<hbm>>, %arg5: memref<600xf32, #tpu.memory_space<vmem>>, %arg6: memref<2048xi32, #tpu.memory_space<vmem>>, %arg7: memref<24576xf32, #tpu.memory_space<vmem>>) attributes {dimension_semantics = [#tpu.dimension_semantics<core_parallel>, #tpu.dimension_semantics<subcore_parallel>], iteration_bounds = array<i64: 2, 16>, scalar_prefetch = 0 : i64, scratch_operands = 3 : i64, tpu.core_type = #tpu.core_type<sc_vector_subcore>, window_params = [{transform_indices = #map}, {transform_indices = #map}, {transform_indices = #map}]} {
    %mul3A = arith.constant 2 : i32
    %mul3A_0 = arith.muli %arg1, %mul3A : i32
    %add3A = arith.addi %mul3A_0, %arg0 : i32
    %mul3A_1 = arith.constant 102400 : i32
    %mul3A_2 = arith.muli %add3A, %mul3A_1 : i32
    "tpu.region"() ({
      %run_scoped3A = tpu.sem_alloc : memref<!tpu.dma_semaphore, #tpu.memory_space<semaphore_mem>>
      tpu.enqueue_dma source(%arg3 : memref<600xf32, #tpu.memory_space<hbm>>) target(%arg5 : memref<600xf32, #tpu.memory_space<vmem>>) target_semaphore(%run_scoped3A : memref<!tpu.dma_semaphore, #tpu.memory_space<semaphore_mem>>)
      tpu.wait_dma2 semaphore(%run_scoped3A : memref<!tpu.dma_semaphore, #tpu.memory_space<semaphore_mem>>) src(%arg3 : memref<600xf32, #tpu.memory_space<hbm>>) dst(%arg5 : memref<600xf32, #tpu.memory_space<vmem>>)
      tpu.yield
    }) : () -> ()
    %iota3A = tpu.iota {dimensions = array<i32: 0>} : vector<16xi32>
    %scan3A = arith.constant 0 : i32
    %scan3A_3 = arith.constant 0 : i32
    %scan3A_4 = arith.constant 50 : i32
    %scan3A_5 = arith.addi %scan3A_3, %scan3A_4 : i32
    %scan3A_6 = arith.constant 1 : i32
    %scan3A_7 = scf.for %scan3A_9 = %scan3A_3 to %scan3A_5 step %scan3A_6 iter_args(%scan3A_10 = %scan3A) -> (i32)  : i32 {
      %mul3A_11 = arith.constant 2048 : i32
      %mul3A_12 = arith.muli %scan3A_9, %mul3A_11 : i32
      %add3A_13 = arith.addi %mul3A_2, %mul3A_12 : i32
      "tpu.region"() ({
        %run_scoped3A = tpu.sem_alloc : memref<!tpu.dma_semaphore, #tpu.memory_space<semaphore_mem>>
        %dma_start3A = tpu.memref_slice %arg2[%add3A_13] : memref<3276800xi32, #tpu.memory_space<hbm>> -> memref<2048xi32, #tpu.memory_space<hbm>>
        %dma_start3A_24 = tpu.memref_slice %arg2[%add3A_13] : memref<3276800xi32, #tpu.memory_space<hbm>> -> memref<2048xi32, #tpu.memory_space<hbm>>
        tpu.enqueue_dma source(%dma_start3A_24 : memref<2048xi32, #tpu.memory_space<hbm>>) target(%arg6 : memref<2048xi32, #tpu.memory_space<vmem>>) target_semaphore(%run_scoped3A : memref<!tpu.dma_semaphore, #tpu.memory_space<semaphore_mem>>)
        %dma_wait3A = tpu.memref_slice %arg2[%add3A_13] : memref<3276800xi32, #tpu.memory_space<hbm>> -> memref<2048xi32, #tpu.memory_space<hbm>>
        %dma_wait3A_25 = tpu.memref_slice %arg2[%add3A_13] : memref<3276800xi32, #tpu.memory_space<hbm>> -> memref<2048xi32, #tpu.memory_space<hbm>>
        tpu.wait_dma2 semaphore(%run_scoped3A : memref<!tpu.dma_semaphore, #tpu.memory_space<semaphore_mem>>) src(%dma_wait3A_25 : memref<2048xi32, #tpu.memory_space<hbm>>) dst(%arg6 : memref<2048xi32, #tpu.memory_space<vmem>>)
        tpu.yield
      }) : () -> ()
      %scan3A_14 = arith.constant 0 : i32
      %scan3A_15 = arith.constant 0 : i32
      %scan3A_16 = arith.constant 128 : i32
      %scan3A_17 = arith.addi %scan3A_15, %scan3A_16 : i32
      %scan3A_18 = arith.constant 1 : i32
      %scan3A_19 = scf.for %scan3A_24 = %scan3A_15 to %scan3A_17 step %scan3A_18 iter_args(%scan3A_25 = %scan3A_14) -> (i32)  : i32 {
        %mul3A_26 = arith.constant 16 : i32
        %mul3A_27 = arith.muli %scan3A_24, %mul3A_26 : i32
        %get3A = arith.index_cast %mul3A_27 : i32 to index
        %get3A_28 = tpu.vector_load %arg6[%get3A] {strides = array<i32>} : memref<2048xi32, #tpu.memory_space<vmem>>, vector<16xi32>,
        %mul3A_29 = arith.constant 12 : i32
        %mul3A_30 = vector.broadcast %mul3A_29 : i32 to vector<16xi32>
        %mul3A_31 = arith.muli %get3A_28, %mul3A_30 : vector<16xi32>
        %mul3A_32 = arith.constant 12 : i32
        %mul3A_33 = vector.broadcast %mul3A_32 : i32 to vector<16xi32>
        %mul3A_34 = arith.muli %iota3A, %mul3A_33 : vector<16xi32>
        %mul3A_35 = arith.constant 192 : i32
        %mul3A_36 = arith.muli %scan3A_24, %mul3A_35 : i32
        %add3A_37 = vector.broadcast %mul3A_36 : i32 to vector<16xi32>
        %add3A_38 = arith.addi %mul3A_34, %add3A_37 : vector<16xi32>
        %add3A_39 = arith.constant 0 : i32
        %add3A_40 = vector.broadcast %add3A_39 : i32 to vector<16xi32>
        %add3A_41 = arith.addi %mul3A_31, %add3A_40 : vector<16xi32>
        %gather3A = tpu.vector_load_idx %arg5[%add3A_41] : memref<600xf32, #tpu.memory_space<vmem>>[vector<16xi32>], vector<16xf32>,
        %add3A_42 = arith.constant 0 : i32
        %add3A_43 = vector.broadcast %add3A_42 : i32 to vector<16xi32>
        %add3A_44 = arith.addi %add3A_38, %add3A_43 : vector<16xi32>
        tpu.vector_store_idx %arg7[%add3A_44], %gather3A : memref<24576xf32, #tpu.memory_space<vmem>>[vector<16xi32>], vector<16xf32>,
        %add3A_45 = arith.constant 1 : i32
        %add3A_46 = vector.broadcast %add3A_45 : i32 to vector<16xi32>
        %add3A_47 = arith.addi %mul3A_31, %add3A_46 : vector<16xi32>
        %gather3A_48 = tpu.vector_load_idx %arg5[%add3A_47] : memref<600xf32, #tpu.memory_space<vmem>>[vector<16xi32>], vector<16xf32>,
        %add3A_49 = arith.constant 1 : i32
        %add3A_50 = vector.broadcast %add3A_49 : i32 to vector<16xi32>
        %add3A_51 = arith.addi %add3A_38, %add3A_50 : vector<16xi32>
        tpu.vector_store_idx %arg7[%add3A_51], %gather3A_48 : memref<24576xf32, #tpu.memory_space<vmem>>[vector<16xi32>], vector<16xf32>,
        %add3A_52 = arith.constant 2 : i32
        %add3A_53 = vector.broadcast %add3A_52 : i32 to vector<16xi32>
        %add3A_54 = arith.addi %mul3A_31, %add3A_53 : vector<16xi32>
        %gather3A_55 = tpu.vector_load_idx %arg5[%add3A_54] : memref<600xf32, #tpu.memory_space<vmem>>[vector<16xi32>], vector<16xf32>,
        %add3A_56 = arith.constant 2 : i32
        %add3A_57 = vector.broadcast %add3A_56 : i32 to vector<16xi32>
        %add3A_58 = arith.addi %add3A_38, %add3A_57 : vector<16xi32>
        tpu.vector_store_idx %arg7[%add3A_58], %gather3A_55 : memref<24576xf32, #tpu.memory_space<vmem>>[vector<16xi32>], vector<16xf32>,
        %add3A_59 = arith.constant 3 : i32
        %add3A_60 = vector.broadcast %add3A_59 : i32 to vector<16xi32>
        %add3A_61 = arith.addi %mul3A_31, %add3A_60 : vector<16xi32>
        %gather3A_62 = tpu.vector_load_idx %arg5[%add3A_61] : memref<600xf32, #tpu.memory_space<vmem>>[vector<16xi32>], vector<16xf32>,
        %add3A_63 = arith.constant 3 : i32
        %add3A_64 = vector.broadcast %add3A_63 : i32 to vector<16xi32>
        %add3A_65 = arith.addi %add3A_38, %add3A_64 : vector<16xi32>
        tpu.vector_store_idx %arg7[%add3A_65], %gather3A_62 : memref<24576xf32, #tpu.memory_space<vmem>>[vector<16xi32>], vector<16xf32>,
        %add3A_66 = arith.constant 4 : i32
        %add3A_67 = vector.broadcast %add3A_66 : i32 to vector<16xi32>
        %add3A_68 = arith.addi %mul3A_31, %add3A_67 : vector<16xi32>
        %gather3A_69 = tpu.vector_load_idx %arg5[%add3A_68] : memref<600xf32, #tpu.memory_space<vmem>>[vector<16xi32>], vector<16xf32>,
        %add3A_70 = arith.constant 4 : i32
        %add3A_71 = vector.broadcast %add3A_70 : i32 to vector<16xi32>
        %add3A_72 = arith.addi %add3A_38, %add3A_71 : vector<16xi32>
        tpu.vector_store_idx %arg7[%add3A_72], %gather3A_69 : memref<24576xf32, #tpu.memory_space<vmem>>[vector<16xi32>], vector<16xf32>,
        %add3A_73 = arith.constant 5 : i32
        %add3A_74 = vector.broadcast %add3A_73 : i32 to vector<16xi32>
        %add3A_75 = arith.addi %mul3A_31, %add3A_74 : vector<16xi32>
        %gather3A_76 = tpu.vector_load_idx %arg5[%add3A_75] : memref<600xf32, #tpu.memory_space<vmem>>[vector<16xi32>], vector<16xf32>,
        %add3A_77 = arith.constant 5 : i32
        %add3A_78 = vector.broadcast %add3A_77 : i32 to vector<16xi32>
        %add3A_79 = arith.addi %add3A_38, %add3A_78 : vector<16xi32>
        tpu.vector_store_idx %arg7[%add3A_79], %gather3A_76 : memref<24576xf32, #tpu.memory_space<vmem>>[vector<16xi32>], vector<16xf32>,
        %add3A_80 = arith.constant 6 : i32
        %add3A_81 = vector.broadcast %add3A_80 : i32 to vector<16xi32>
        %add3A_82 = arith.addi %mul3A_31, %add3A_81 : vector<16xi32>
        %gather3A_83 = tpu.vector_load_idx %arg5[%add3A_82] : memref<600xf32, #tpu.memory_space<vmem>>[vector<16xi32>], vector<16xf32>,
        %add3A_84 = arith.constant 6 : i32
        %add3A_85 = vector.broadcast %add3A_84 : i32 to vector<16xi32>
        %add3A_86 = arith.addi %add3A_38, %add3A_85 : vector<16xi32>
        tpu.vector_store_idx %arg7[%add3A_86], %gather3A_83 : memref<24576xf32, #tpu.memory_space<vmem>>[vector<16xi32>], vector<16xf32>,
        %add3A_87 = arith.constant 7 : i32
        %add3A_88 = vector.broadcast %add3A_87 : i32 to vector<16xi32>
        %add3A_89 = arith.addi %mul3A_31, %add3A_88 : vector<16xi32>
        %gather3A_90 = tpu.vector_load_idx %arg5[%add3A_89] : memref<600xf32, #tpu.memory_space<vmem>>[vector<16xi32>], vector<16xf32>,
        %add3A_91 = arith.constant 7 : i32
        %add3A_92 = vector.broadcast %add3A_91 : i32 to vector<16xi32>
        %add3A_93 = arith.addi %add3A_38, %add3A_92 : vector<16xi32>
        tpu.vector_store_idx %arg7[%add3A_93], %gather3A_90 : memref<24576xf32, #tpu.memory_space<vmem>>[vector<16xi32>], vector<16xf32>,
        %add3A_94 = arith.constant 8 : i32
        %add3A_95 = vector.broadcast %add3A_94 : i32 to vector<16xi32>
        %add3A_96 = arith.addi %mul3A_31, %add3A_95 : vector<16xi32>
        %gather3A_97 = tpu.vector_load_idx %arg5[%add3A_96] : memref<600xf32, #tpu.memory_space<vmem>>[vector<16xi32>], vector<16xf32>,
        %add3A_98 = arith.constant 8 : i32
        %add3A_99 = vector.broadcast %add3A_98 : i32 to vector<16xi32>
        %add3A_100 = arith.addi %add3A_38, %add3A_99 : vector<16xi32>
        tpu.vector_store_idx %arg7[%add3A_100], %gather3A_97 : memref<24576xf32, #tpu.memory_space<vmem>>[vector<16xi32>], vector<16xf32>,
        %add3A_101 = arith.constant 9 : i32
        %add3A_102 = vector.broadcast %add3A_101 : i32 to vector<16xi32>
        %add3A_103 = arith.addi %mul3A_31, %add3A_102 : vector<16xi32>
        %gather3A_104 = tpu.vector_load_idx %arg5[%add3A_103] : memref<600xf32, #tpu.memory_space<vmem>>[vector<16xi32>], vector<16xf32>,
        %add3A_105 = arith.constant 9 : i32
        %add3A_106 = vector.broadcast %add3A_105 : i32 to vector<16xi32>
        %add3A_107 = arith.addi %add3A_38, %add3A_106 : vector<16xi32>
        tpu.vector_store_idx %arg7[%add3A_107], %gather3A_104 : memref<24576xf32, #tpu.memory_space<vmem>>[vector<16xi32>], vector<16xf32>,
        %add3A_108 = arith.constant 10 : i32
        %add3A_109 = vector.broadcast %add3A_108 : i32 to vector<16xi32>
        %add3A_110 = arith.addi %mul3A_31, %add3A_109 : vector<16xi32>
        %gather3A_111 = tpu.vector_load_idx %arg5[%add3A_110] : memref<600xf32, #tpu.memory_space<vmem>>[vector<16xi32>], vector<16xf32>,
        %add3A_112 = arith.constant 10 : i32
        %add3A_113 = vector.broadcast %add3A_112 : i32 to vector<16xi32>
        %add3A_114 = arith.addi %add3A_38, %add3A_113 : vector<16xi32>
        tpu.vector_store_idx %arg7[%add3A_114], %gather3A_111 : memref<24576xf32, #tpu.memory_space<vmem>>[vector<16xi32>], vector<16xf32>,
        %add3A_115 = arith.constant 11 : i32
        %add3A_116 = vector.broadcast %add3A_115 : i32 to vector<16xi32>
        %add3A_117 = arith.addi %mul3A_31, %add3A_116 : vector<16xi32>
        %gather3A_118 = tpu.vector_load_idx %arg5[%add3A_117] : memref<600xf32, #tpu.memory_space<vmem>>[vector<16xi32>], vector<16xf32>,
        %add3A_119 = arith.constant 11 : i32
        %add3A_120 = vector.broadcast %add3A_119 : i32 to vector<16xi32>
        %add3A_121 = arith.addi %add3A_38, %add3A_120 : vector<16xi32>
        tpu.vector_store_idx %arg7[%add3A_121], %gather3A_118 : memref<24576xf32, #tpu.memory_space<vmem>>[vector<16xi32>], vector<16xf32>,
        %scan3A_122 = arith.constant 0 : i32
        scf.yield %scan3A_122 : i32
      }
      %scan3A_20 = arith.constant 128 : i32
      %mul3A_21 = arith.constant 12 : i32
      %mul3A_22 = arith.muli %add3A_13, %mul3A_21 : i32
      "tpu.region"() ({
        %run_scoped3A = tpu.sem_alloc : memref<!tpu.dma_semaphore, #tpu.memory_space<semaphore_mem>>
        %dma_start3A = tpu.memref_slice %arg4[%mul3A_22] : memref<39321600xf32, #tpu.memory_space<hbm>> -> memref<24576xf32, #tpu.memory_space<hbm>>
        %dma_start3A_24 = tpu.memref_slice %arg4[%mul3A_22] : memref<39321600xf32, #tpu.memory_space<hbm>> -> memref<24576xf32, #tpu.memory_space<hbm>>
        tpu.enqueue_dma source(%arg7 : memref<24576xf32, #tpu.memory_space<vmem>>) target(%dma_start3A_24 : memref<24576xf32, #tpu.memory_space<hbm>>) target_semaphore(%run_scoped3A : memref<!tpu.dma_semaphore, #tpu.memory_space<semaphore_mem>>)
        %dma_wait3A = tpu.memref_slice %arg4[%mul3A_22] : memref<39321600xf32, #tpu.memory_space<hbm>> -> memref<24576xf32, #tpu.memory_space<hbm>>
        %dma_wait3A_25 = tpu.memref_slice %arg4[%mul3A_22] : memref<39321600xf32, #tpu.memory_space<hbm>> -> memref<24576xf32, #tpu.memory_space<hbm>>
        tpu.wait_dma2 semaphore(%run_scoped3A : memref<!tpu.dma_semaphore, #tpu.memory_space<semaphore_mem>>) src(%arg7 : memref<24576xf32, #tpu.memory_space<vmem>>) dst(%dma_wait3A_25 : memref<24576xf32, #tpu.memory_space<hbm>>)
        tpu.yield
      }) : () -> ()
      %scan3A_23 = arith.constant 0 : i32
      scf.yield %scan3A_23 : i32
    }
    %scan3A_8 = arith.constant 50 : i32
    return
  }
}

</mosaic_0001>

<sc_bundles>
// kernel: _sc_gather.3.cloned.1.call-start
scs
__scs_entry_jumppad:
0x0: {  	(pc) =	sbr.rel $0x88, $3  }
0x1: {  	(tag) =	ssettag $0x0;
	lr =	simm.s32 $0x1  }
0x2: {  	[smem:$0x3F9F] =	sst lr;
	_ =	strace $0xD0000000  }
0x3: {  	_ = 	snop  }
0x4: {  	_ = 	snop  }
0x5: {  	_ = 	snop  }
0x6: {  	_ = 	snop  }
0x7: {  	_ = 	snop  }
__scs_overlays_trampoline_lowered:
0x8: {  	[smem:$0x3FAE] =	sst s0  }
0x9: {  	[smem:$0x3FAF] =	sst s1  }
0xa: {  	[smem:$0x3FB0] =	sst s2  }
0xb: {  	[smem:$0x3FB1] =	sst s3  }
0xc: {  	[smem:$0x3FB2] =	sst s4  }
0xd: {  	[smem:$0x3FB3] =	sst s5  }
0xe: {  	[smem:$0x3FB4] =	sst s6  }
0xf: {  	[smem:$0x3FB5] =	sst s7  }
0x10: {  	[smem:$0x3FB6] =	sst s8  }
0x11: {  	[smem:$0x3FB7] =	sst s9;
	s0 =	simm.s32 @!p0 $0x0  }
0x12: {  	s1 =	sld [smem:$0x3F9D];
	s0 =	simm.s32 @p0 $0x1  }
0x13: {  	[smem:$0x3FB8] =	sst s0;
	s0 =	simm.s32 @!p1 $0x0  }
0x14: {  	s2 =	sld [smem:$0x3F9C];
	s0 =	simm.s32 @p1 $0x1  }
0x15: {  	[smem:$0x3FB9] =	sst s0;
	s0 =	simm.s32 @!p2 $0x0  }
0x16: {  	s3 =	sld [smem:$0x3FDB];
	s0 =	simm.s32 @p2 $0x1  }
0x17: {  	s4 =	simm.s32 $0x1BF5;
	[smem:$0x3FBB] =	sst s0  }
0x18: {  	s0 =	sld [smem:$0x3F9E];
	_ =	swait.ge [sflag:s4], $0x0  }
0x19: {  	s7 =	sld [smem:$0x3F9F]  }
0x1a: {  	s8 =	sadd.s32 $0xFFFFE003, lr  }
0x1b: {  	s9 =	sadd.s32 $0xFFFFFEF7, lr;
	s5 =	simm.s32 $0xFFFFFFFF;
	p2 =	slt.u32 s8, $0xFFFFF086  }
0x1c: {  	p1 =	slt.u32 s9, $0xF7A;
	s5 =	simm.s32 @!p2 $0x0  }
0x1d: {  	s5 =	simm.s32 @p1 $0x1;
	p0 =	seq.s32 s7, s2  }
0x1e: {  	s7 =	smul.u32 @!p0 $0xF7A, s2;
	p2 =	seq.s32 @!p0 s5, $0x0  }
0x1f: {  	s9 =	smul.u32 $0xF7A, s1;
	s8 =	simm.s32 @!p0 $0x1BF5;
	p2 =	por !p2, p0  }
0x20: {  	[sflag:s8] =	ssyncset.s32 @!p0 $0xFFFFF086;
	s6 =	sadd.s32 @!p0 s3, s7;
	s7 =	simm.s32 @!p0 $0x108  }
0x21: {  	s3 =	sadd.s32 s3, s9;
	s6 =	sadd.s32 @!p0 $0x88, s6;
	s7 =	simm.s32 @p2 $0x1082  }
0x22: {  	[simem:s7], [sflag:s8] =	dma.local @!p0 [hbm:s6], $0xF7A  }
0x23: {  	s9 =	sor.u32 $0xD0000000, s2;
	s6 =	simm.s32 $0x108;
	_ =	swait.ge @!p0 [sflag:s8], $0x0  }
0x24: {  	s3 =	sadd.s32 $0x88, s3;
	s6 =	simm.s32 @!p1 $0x1082;
	[sflag:s4] =	ssyncset.s32 $0xFFFFF086  }
0x25: {  	[simem:s6], [sflag:s4] =	dma.local [hbm:s3], $0xF7A  }
0x26: {  	[smem:$0x3F9F] =	sst s1;
	(tag) =	ssettag s2;
	_ =	strace s9  }
0x27: {  	s1 =	sld [smem:$0x3FAF]  }
0x28: {  	s2 =	sld [smem:$0x3FB0]  }
0x29: {  	s4 =	sld [smem:$0x3FB2]  }
0x2a: {  	p0 =	seq.s32 s5, $0x0;
	s5 =	sld [smem:$0x3FB3]  }
0x2b: {  	s6 =	sld [smem:$0x3FB4]  }
0x2c: {  	s7 =	sld [smem:$0x3FB5]  }
0x2d: {  	s3 =	simm.s32 $0x108;
	s8 =	sld [smem:$0x3FB6]  }
0x2e: {  	s3 =	simm.s32 @!p0 $0x1082;
	s9 =	sld [smem:$0x3FB7]  }
0x2f: {  	lr =	sadd.s32 s0, s3;
	s0 =	sld [smem:$0x3FAE]  }
0x30: {  	s3 =	sld [smem:$0x3FB1]  }
0x31: {  	[smem:$0x3FBA] =	sst s10  }
0x32: {  	s10 =	sld [smem:$0x3FB8];
	_ =	sdelay $0x3  }
0x33: {  	p0 =	seq.s32 s10, $0x1;
	s10 =	sld [smem:$0x3FBA];
	_ =	sdelay $0x3  }
0x34: {  	[smem:$0x3FBA] =	sst s10  }
0x35: {  	s10 =	sld [smem:$0x3FB9];
	_ =	sdelay $0x3  }
0x36: {  	p1 =	seq.s32 s10, $0x1;
	s10 =	sld [smem:$0x3FBA];
	_ =	sdelay $0x3  }
0x37: {  	[smem:$0x3FBA] =	sst s10  }
0x38: {  	s10 =	sld [smem:$0x3FBB]  }
0x39: {  	_ = 	snop;
	(pc) =	sbr.ind lr, $3  }
0x3a: {  	_ = 	snop  }
0x3b: {  	_ = 	snop  }
0x3c: {  	p2 =	seq.s32 s10, $0x1;
	s10 =	sld [smem:$0x3FBA]  }
0x3d: {  	_ =	shalt  }
0x3e: {  	_ =	shalt  }
0x3f: {  	_ =	shalt  }
0x40: {  	_ =	shalt  }
0x41: {  	_ =	shalt  }
0x42: {  	_ =	shalt  }
0x43: {  	_ =	shalt  }
0x44: {  	_ =	shalt  }
0x45: {  	_ =	shalt  }
0x46: {  	_ =	shalt  }
0x47: {  	_ =	shalt  }
0x48: {  	_ =	shalt  }
0x49: {  	_ =	shalt  }
0x4a: {  	_ =	shalt  }
0x4b: {  	_ =	shalt  }
0x4c: {  	_ =	shalt  }
0x4d: {  	_ =	shalt  }
0x4e: {  	_ =	shalt  }
0x4f: {  	_ =	shalt  }
0x50: {  	_ =	shalt  }
0x51: {  	_ =	shalt  }
0x52: {  	_ =	shalt  }
0x53: {  	_ =	shalt  }
0x54: {  	_ =	shalt  }
0x55: {  	_ =	shalt  }
0x56: {  	_ =	shalt  }
0x57: {  	_ =	shalt  }
0x58: {  	_ =	shalt  }
0x59: {  	_ =	shalt  }
0x5a: {  	_ =	shalt  }
0x5b: {  	_ =	shalt  }
0x5c: {  	_ =	shalt  }
0x5d: {  	_ =	shalt  }
0x5e: {  	_ =	shalt  }
0x5f: {  	_ =	shalt  }
0x60: {  	_ =	shalt  }
0x61: {  	_ =	shalt  }
0x62: {  	_ =	shalt  }
0x63: {  	_ =	shalt  }
0x64: {  	_ =	shalt  }
0x65: {  	_ =	shalt  }
0x66: {  	_ =	shalt  }
0x67: {  	_ =	shalt  }
0x68: {  	_ =	shalt  }
0x69: {  	_ =	shalt  }
0x6a: {  	_ =	shalt  }
0x6b: {  	_ =	shalt  }
0x6c: {  	_ =	shalt  }
0x6d: {  	_ =	shalt  }
0x6e: {  	_ =	shalt  }
0x6f: {  	_ =	shalt  }
0x70: {  	_ =	shalt  }
0x71: {  	_ =	shalt  }
0x72: {  	_ =	shalt  }
0x73: {  	_ =	shalt  }
0x74: {  	_ =	shalt  }
0x75: {  	_ =	shalt  }
0x76: {  	_ =	shalt  }
0x77: {  	_ =	shalt  }
0x78: {  	_ =	shalt  }
0x79: {  	_ =	shalt  }
0x7a: {  	_ =	shalt  }
0x7b: {  	_ =	shalt  }
0x7c: {  	_ =	shalt  }
0x7d: {  	_ =	shalt  }
0x7e: {  	_ =	shalt  }
0x7f: {  	_ =	shalt  }
0x80: {  	_ =	shalt  }
0x81: {  	_ =	shalt  }
0x82: {  	_ =	shalt  }
0x83: {  	_ =	shalt  }
0x84: {  	_ =	shalt  }
0x85: {  	_ =	shalt  }
0x86: {  	_ =	shalt  }
0x87: {  	_ =	shalt  }
.Lfunc_end0:
.L_simem_size_0:
called_computation_lowered:
.L_overlay_start_0:
0x88: {  	s2 =	sld [smem:$0x3FD9]  }
0x89: {  	s3 =	sld [smem:$0x3FFE];
	_ =	sdelay $0x1  }
0x8a: {  	s1 =	srdreg.scid  }
0x8b: {  	s0 =	sand.u32 $0x1, s1  }
0x8c: {  	s18 =	sshll.u32 s0, $0xA;
	s2 =	sadd.s32 s3, s2  }
0x8d: {  	s2 =	sadd.s32 s2, s18  }
0x8e: {  	[smem:$0x3FC6] =	sst s2  }
0x8f: {  	_ = 	snop  }
0x90: {  	s2 =	sld [smem:$0x3FC9]  }
0x91: {  	s19 =	sld [smem:$0x3FC8]  }
0x92: {  	s4 =	sld [smem:$0x3FD0];
	(tm) =	ssettm $0x1  }
0x93: {  	s5 =	sld [smem:$0x3FFB];
	_ =	sdelay $0x3  }
0x94: {  	_ =	strace s5  }
0x95: {  	s5 =	sld [smem:$0x3FFC];
	_ =	sdelay $0x3  }
0x96: {  	_ =	strace s5  }
0x97: {  	s5 =	sld [smem:$0x3FFD];
	_ =	sdelay $0x3  }
0x98: {  	_ =	strace s5  }
0x99: {  	_ =	strace $0x8FFFFFFF  }
0x9a: {  	s20 =	sld [smem:$0x3FDB];
	_ =	sdelay $0x1  }
0x9b: {  	s6 =	simm.s32 $_scs_section_size  }
0x9c: {  	s7 =	simm.s32 $_size__tile_overlayer_lowered;
	s8 =	simm.s32 $_tile_overlayer_lowered  }
0x9d: {  	s23 =	simm.s32 $0x1BFF;
	s22 =	sshll.u32 s8, $0x1;
	s5 =	sadd.s32 s6, s20  }
0x9e: {  	s9 =	simm.s32 $0x0;
	s21 =	sshll.u32 s7, $0x1;
	s7 =	sadd.s32 s22, s5  }
0x9f: {  	[timem:s9], [sflag:s23] =	dma.local [hbm:s7], s21  }
0xa0: {  	_ =	swait.ge [sflag:s23], s21  }
0xa1: {  	s6 =	ssub.s32 $0x0, s21;
	[sflag:s23] =	ssyncset.done $0x0  }
0xa2: {  	[sflag:s23] =	ssyncadd.s32 s6;
	_ =	sdelay $0x1  }
0xa3: {  	s24 =	simm.s32 $0x1B8B  }
0xa4: {  	_ =	swait.ge [sflag:s24], $0x1  }
0xa5: {  	[sflag:s24] =	ssyncset.done $0x0  }
0xa6: {  	s25 =	simm.s32 $0x1B8E;
	[sflag:s24] =	ssyncadd.s32 $0xFFFFFFFF  }
0xa7: {  	s26 =	simm.s32 $execute0_lowered;
	[smem:$0x3FD2] =	sst s25  }
0xa8: {  	s6 =	sshll.u32 s26, $0x1;
	_ =	strace $0x80000046;
	[dreg:$0x1] =	wrdreg $0xFFFFFFFF  }
0xa9: {  	s28 =	simm.s32 $_size_execute0_lowered;
	s5 =	sadd.s32 s5, s6;
	[dreg:$0x0] =	wrdreg $0x0  }
0xaa: {  	s6 =	sshll.u32 s28, $0x1;
	[dreg:$0x2] =	wrdreg s5  }
0xab: {  	[dreg:$0x3] =	wrdreg s6  }
0xac: {  	[dreg:$0x4] =	wrdreg $0xC0  }
0xad: {  	_ =	task [dreg:s9], $0x5FFFF  }
0xae: {  	[dreg:$0x1] =	wrdreg $0xFFFFFFFF  }
0xaf: {  	[dreg:$0x0] =	wrdreg $0x60  }
0xb0: {  	[dreg:$0x2] =	wrdreg s2  }
0xb1: {  	[dreg:$0x3] =	wrdreg s19  }
0xb2: {  	[dreg:$0x4] =	wrdreg s4  }
0xb3: {  	[dreg:$0x5] =	wrdreg $0x9  }
0xb4: {  	_ =	task.clear_ibuf [dreg:s9], $0x6FFFF;
	_ =	strace $0x90000046  }
0xb5: {  	s29 =	simm.s32 $0x9;
	_ =	strace $0x80000048  }
0xb6: {  	_ =	swait.ge [sflag:s29], $0x1  }
0xb7: {  	[sflag:s29] =	ssyncadd.s32 $0xFFFFFFFF  }
0xb8: {  	_ =	strace $0x90000048  }
0xb9: {  	_ =	sfence  }
0xba: {  	s30 =	sld [smem:$0x0];
	_ =	sdelay $0x2  }
0xbb: {  	s31 =	sshll.u32 s1, $0xD;
	s1 =	sshrl.u32 s1, $0x2  }
0xbc: {  	s3 =	sand.u32 $0x4000, s31;
	s1 =	sadd.s32 s1, s30  }
0xbd: {  	s0 =	sor.u32 s3, s0;
	s1 =	sshll.u32 s1, $0x11  }
0xbe: {  	s0 =	sor.u32 s1, s0  }
0xbf: {  	s0 =	sadd.s32 $0x8F2B, s0  }
0xc0: {  	[sflag:s0] =	ssyncadd.remote.s32 $0x1  }
0xc1: {  	_ =	sfence.sel $0xFFFF  }
0xc2: {  	[dreg:$0x0] =	wrdreg $0xFFFFFFFF;
	(pc) =	sbr.abs _section_cstart, $3  }
0xc3: {  	[dreg:$0x1] =	wrdreg $0xFFFFFFFF  }
0xc4: {  	_ =	task.clear_ibuf [dreg:s9], $0x2FFFF;
	_ =	strace $0x9FFFFFFF  }
0xc5: {  	(tm) =	ssettm $0x7FFFFFFF  }
tec
execute0_lowered:
.L_overlay_start_1:
0x0: {  	(tag) =	ssettag $0x1  }
0x1: {  	s0 =	rddreg [dreg:$0x0]  }
0x2: {  	s2 =	rddreg [dreg:$0x1];
	s1 =	srdreg.scid;
	v0 =	vlaneseq.u32  }
0x3: {  	s4 =	rddreg [dreg:$0x2];
	s3 =	stileid.u32;
	v0 =	vmul.u32 $0xC, v0  }
0x4: {  	s5 =	simm.s32 $0x0;
	s10 =	simm.s32 $0x0;
	s6 =	sand.u32 $0x1, s1  }
0x5: {  	s1 =	rddreg [dreg:$0x3];
	s9 =	sshll.u32 s3, $0x1;
	s7 =	ssub.s32 $0x2, s6;
	v1 =	vor.u32 $0x1, v0;
	v2 =	vor.u32 $0x2, v0  }
0x6: {  	[smem:$0x7FF] =	sst s5;
	s6 =	sor.u32 s6, s9;
	s8 =	sshrl.u32 s7, $0x1;
	v3 =	vor.u32 $0x3, v0;
	v4 =	vadd.s32 $0x4, v0;
	v5 =	vadd.s32 $0x5, v0  }
0x7: {  	_ =	strace $0x80000047;
	s9 =	simm.s32 $0xA80;
	v6 =	vadd.s32 $0x6, v0;
	v7 =	vadd.s32 $0x7, v0;
	v8 =	vadd.s32 $0x8, v0;
	s7 =	ssub.s32 s7, s8  }
0x8: {  	s6 =	smul.u32 $0x19000, s6;
	v9 =	vadd.s32 $0x9, v0;
	v10 =	vadd.s32 $0xA, v0;
	v11 =	vadd.s32 $0xB, v0;
	s8 =	simm.s32 $0x1;
	s7 =	smax.u32 s7, $0x1  }
.LBB2_1:
0x9: {  	[tilespmem:s5], [sflag:$0x1] =	stream.linear.gather [hbm4b:s2+s5], $0x280, $0x38;
	[tilespmem:$0x6A80] =	vst v63  }
0xa: {  	_ =	swait.ge [sflag:s8], $0x280  }
0xb: {  	[sflag:s8] =	ssyncset.done $0x0  }
0xc: {  	s11 =	simm.s32 $0x0;
	[sflag:s8] =	ssyncadd.s32 $0xFFFFFD80  }
.LBB2_2:
0xd: {  	s12 =	sshll.u32 s11, $0xB  }
0xe: {  	s12 =	sadd.s32 s6, s12  }
0xf: {  	s13 =	sshrl.u32 s12, $0x3  }
0x10: {  	s15 =	simm.s32 $0x0;
	s14 =	sadd.s32 s0, s13;
	s13 =	simm.s32 $0x280  }
0x11: {  	[tilespmem:s13], [sflag:$0x1] =	stream.linear.gather [hbm4b:s14+s15], $0x800, $0x38;
	[tilespmem:$0x6A80] =	vst v63  }
0x12: {  	_ =	swait.ge [sflag:s8], $0x800  }
0x13: {  	[sflag:s8] =	ssyncset.done $0x0  }
0x14: {  	[sflag:s8] =	ssyncadd.s32 $0xFFFFF800  }
0x15: {  	v12 =	vld [tilespmem:s13+$0x0];
	_ =	sdelay $0x4  }
0x16: {  	v12 =	vmul.u32 $0xC, v12;
	_ =	sdelay $0x5  }
0x17: {  	v14 =	vadd.s32 s15, v0;
	v13 =	vld.idx.msk [tilespmem:v12+s5+$0x0], $0xffff  }
0x18: {  	v15 =	vor.u32 $0x1, v12;
	_ =	sdelay $0x3  }
0x19: {  	[tilespmem:v14+s9+$0x0] =	vst.idx.msk $0xffff, v13  }
0x1a: {  	v14 =	vadd.s32 s15, v1;
	v13 =	vld.idx.msk [tilespmem:v15+s5+$0x0], $0xffff  }
0x1b: {  	v15 =	vor.u32 $0x2, v12;
	_ =	sdelay $0x3  }
0x1c: {  	[tilespmem:v14+s9+$0x0] =	vst.idx.msk $0xffff, v13  }
0x1d: {  	v14 =	vadd.s32 s15, v2;
	v13 =	vld.idx.msk [tilespmem:v15+s5+$0x0], $0xffff  }
0x1e: {  	v15 =	vor.u32 $0x3, v12;
	_ =	sdelay $0x3  }
0x1f: {  	[tilespmem:v14+s9+$0x0] =	vst.idx.msk $0xffff, v13  }
0x20: {  	v14 =	vadd.s32 s15, v3;
	v13 =	vld.idx.msk [tilespmem:v15+s5+$0x0], $0xffff  }
0x21: {  	v15 =	vadd.s32 $0x4, v12;
	_ =	sdelay $0x3  }
0x22: {  	[tilespmem:v14+s9+$0x0] =	vst.idx.msk $0xffff, v13  }
0x23: {  	v14 =	vadd.s32 s15, v4;
	v13 =	vld.idx.msk [tilespmem:v15+s5+$0x0], $0xffff  }
0x24: {  	v15 =	vadd.s32 $0x5, v12;
	_ =	sdelay $0x3  }
0x25: {  	[tilespmem:v14+s9+$0x0] =	vst.idx.msk $0xffff, v13  }
0x26: {  	v14 =	vadd.s32 s15, v5;
	v13 =	vld.idx.msk [tilespmem:v15+s5+$0x0], $0xffff  }
0x27: {  	v15 =	vadd.s32 $0x6, v12;
	_ =	sdelay $0x3  }
0x28: {  	[tilespmem:v14+s9+$0x0] =	vst.idx.msk $0xffff, v13  }
0x29: {  	v14 =	vadd.s32 s15, v6;
	v13 =	vld.idx.msk [tilespmem:v15+s5+$0x0], $0xffff  }
0x2a: {  	v15 =	vadd.s32 $0x7, v12;
	_ =	sdelay $0x3  }
0x2b: {  	[tilespmem:v14+s9+$0x0] =	vst.idx.msk $0xffff, v13  }
0x2c: {  	v14 =	vadd.s32 s15, v7;
	v13 =	vld.idx.msk [tilespmem:v15+s5+$0x0], $0xffff  }
0x2d: {  	v15 =	vadd.s32 $0x8, v12;
	_ =	sdelay $0x3  }
0x2e: {  	[tilespmem:v14+s9+$0x0] =	vst.idx.msk $0xffff, v13  }
0x2f: {  	v14 =	vadd.s32 s15, v8;
	v13 =	vld.idx.msk [tilespmem:v15+s5+$0x0], $0xffff  }
0x30: {  	v15 =	vadd.s32 $0x9, v12;
	_ =	sdelay $0x3  }
0x31: {  	[tilespmem:v14+s9+$0x0] =	vst.idx.msk $0xffff, v13  }
0x32: {  	v14 =	vadd.s32 s15, v9;
	v13 =	vld.idx.msk [tilespmem:v15+s5+$0x0], $0xffff  }
0x33: {  	v15 =	vadd.s32 $0xA, v12;
	_ =	sdelay $0x3  }
0x34: {  	[tilespmem:v14+s9+$0x0] =	vst.idx.msk $0xffff, v13  }
0x35: {  	v14 =	vadd.s32 s15, v10;
	v13 =	vld.idx.msk [tilespmem:v15+s5+$0x0], $0xffff  }
0x36: {  	v12 =	vadd.s32 $0xB, v12;
	_ =	sdelay $0x3  }
0x37: {  	[tilespmem:v14+s9+$0x0] =	vst.idx.msk $0xffff, v13  }
0x38: {  	s14 =	simm.s32 $0xC0;
	v13 =	vadd.s32 s15, v11;
	v12 =	vld.idx.msk [tilespmem:v12+s5+$0x0], $0xffff  }
.LBB2_3:
0x39: {  	_ =	sdelay $0x2  }
0x3a: {  	p0 =	sne.s32 s14, $0x5F40  }
0x3b: {  	s13 =	sadd.s32 $0x10, s13;
	s15 =	smov.u32 s14;
	s14 =	sadd.s32 $0xC0, s14;
	[tilespmem:v13+s9+$0x0] =	vst.idx.msk $0xffff, v12  }
0x3c: {  	v12 =	vld [tilespmem:s13+$0x0];
	_ =	sdelay $0x4  }
0x3d: {  	v12 =	vmul.u32 $0xC, v12;
	_ =	sdelay $0x5  }
0x3e: {  	v13 =	vld.idx.msk [tilespmem:v12+s5+$0x0], $0xffff  }
0x3f: {  	v14 =	vadd.s32 s15, v0  }
0x40: {  	v15 =	vor.u32 $0x1, v12;
	_ =	sdelay $0x3  }
0x41: {  	[tilespmem:v14+s9+$0x0] =	vst.idx.msk $0xffff, v13  }
0x42: {  	v13 =	vld.idx.msk [tilespmem:v15+s5+$0x0], $0xffff  }
0x43: {  	v14 =	vadd.s32 s15, v1  }
0x44: {  	v15 =	vor.u32 $0x2, v12;
	_ =	sdelay $0x3  }
0x45: {  	[tilespmem:v14+s9+$0x0] =	vst.idx.msk $0xffff, v13  }
0x46: {  	v13 =	vld.idx.msk [tilespmem:v15+s5+$0x0], $0xffff  }
0x47: {  	v14 =	vadd.s32 s15, v2  }
0x48: {  	v15 =	vor.u32 $0x3, v12;
	_ =	sdelay $0x3  }
0x49: {  	[tilespmem:v14+s9+$0x0] =	vst.idx.msk $0xffff, v13  }
0x4a: {  	v13 =	vld.idx.msk [tilespmem:v15+s5+$0x0], $0xffff  }
0x4b: {  	v14 =	vadd.s32 s15, v3  }
0x4c: {  	v15 =	vadd.s32 $0x4, v12;
	_ =	sdelay $0x3  }
0x4d: {  	[tilespmem:v14+s9+$0x0] =	vst.idx.msk $0xffff, v13  }
0x4e: {  	v13 =	vld.idx.msk [tilespmem:v15+s5+$0x0], $0xffff  }
0x4f: {  	v14 =	vadd.s32 s15, v4  }
0x50: {  	v15 =	vadd.s32 $0x5, v12;
	_ =	sdelay $0x3  }
0x51: {  	[tilespmem:v14+s9+$0x0] =	vst.idx.msk $0xffff, v13  }
0x52: {  	v13 =	vld.idx.msk [tilespmem:v15+s5+$0x0], $0xffff  }
0x53: {  	v14 =	vadd.s32 s15, v5  }
0x54: {  	v15 =	vadd.s32 $0x6, v12;
	_ =	sdelay $0x3  }
0x55: {  	[tilespmem:v14+s9+$0x0] =	vst.idx.msk $0xffff, v13  }
0x56: {  	v13 =	vld.idx.msk [tilespmem:v15+s5+$0x0], $0xffff  }
0x57: {  	v14 =	vadd.s32 s15, v6  }
0x58: {  	v15 =	vadd.s32 $0x7, v12;
	_ =	sdelay $0x3  }
0x59: {  	[tilespmem:v14+s9+$0x0] =	vst.idx.msk $0xffff, v13  }
0x5a: {  	v13 =	vld.idx.msk [tilespmem:v15+s5+$0x0], $0xffff  }
0x5b: {  	v14 =	vadd.s32 s15, v7  }
0x5c: {  	v15 =	vadd.s32 $0x8, v12;
	_ =	sdelay $0x3  }
0x5d: {  	[tilespmem:v14+s9+$0x0] =	vst.idx.msk $0xffff, v13  }
0x5e: {  	v13 =	vld.idx.msk [tilespmem:v15+s5+$0x0], $0xffff  }
0x5f: {  	v14 =	vadd.s32 s15, v8  }
0x60: {  	v15 =	vadd.s32 $0x9, v12;
	_ =	sdelay $0x3  }
0x61: {  	[tilespmem:v14+s9+$0x0] =	vst.idx.msk $0xffff, v13  }
0x62: {  	v13 =	vld.idx.msk [tilespmem:v15+s5+$0x0], $0xffff  }
0x63: {  	v14 =	vadd.s32 s15, v9  }
0x64: {  	v15 =	vadd.s32 $0xA, v12;
	_ =	sdelay $0x3  }
0x65: {  	[tilespmem:v14+s9+$0x0] =	vst.idx.msk $0xffff, v13  }
0x66: {  	v13 =	vld.idx.msk [tilespmem:v15+s5+$0x0], $0xffff  }
0x67: {  	v14 =	vadd.s32 s15, v10  }
0x68: {  	v12 =	vadd.s32 $0xB, v12;
	_ =	sdelay $0x1  }
.Ltmp0:
0x69: {  	(pc) =	sbr.rel @p0 .LBB2_3-.Ltmp0, $4  }
0x6a: {  	_ = 	snop  }
0x6b: {  	[tilespmem:v14+s9+$0x0] =	vst.idx.msk $0xffff, v13  }
0x6c: {  	v12 =	vld.idx.msk [tilespmem:v12+s5+$0x0], $0xffff  }
0x6d: {  	v13 =	vadd.s32 s15, v11  }
0x6e: {  	_ = 	snop  }
0x6f: {  	s12 =	smul.u32 $0xC, s12  }
0x70: {  	s11 =	sadd.s32 $0x1, s11  }
0x71: {  	p0 =	sne.s32 s11, $0x32;
	s12 =	sshrl.u32 s12, $0x3  }
.Ltmp1:
0x72: {  	[tilespmem:v13+s9+$0x0] =	vst.idx.msk $0xffff, v12;
	s12 =	sadd.s32 s4, s12;
	(pc) =	sbr.rel @p0 .LBB2_2-.Ltmp1, $4  }
0x73: {  	[hbm4b:s12+s5] =	stream.linear.scatter [tilespmem:s9], [sflag:$0x1], $0x6000, $0x38;
	[tilespmem:$0x6A80] =	vst v63  }
0x74: {  	_ =	swait.ge [sflag:s8], $0x6000  }
0x75: {  	[sflag:s8] =	ssyncset.done $0x0  }
0x76: {  	[sflag:s8] =	ssyncadd.s32 $0xFFFFA000  }
0x77: {  	s10 =	sadd.s32 $0x1, s10  }
0x78: {  	p0 =	sne.s32 s10, s7  }
.Ltmp2:
0x79: {  	_ = 	snop;
	(pc) =	sbr.rel @p0 .LBB2_1-.Ltmp2, $1  }
0x7a: {  	_ =	sdelay $0x3  }
0x7b: {  	_ =	sfence.sel $0x180000  }
0x7c: {  	[bflag:$0x0] =	sbarrier.arrive $0xFFFF  }
0x7d: {  	p0 =	sne.s32 s3, $0x0;
	_ =	strace $0x90000047  }
0x7e: {  	s0 =	sadd.s32 @!p0 $0x100000, s1;
	[bflag:$0x2] =	sbarrier.arrive $0xFFFF  }
0x7f: {  	[sflag:s0] =	ssyncadd.tile.s32 @!p0 $0x1;
	_ =	shalt  }
.Lfunc_end2:
_tile_overlayer_lowered:
.L_overlay_start_2:
0x80: {  	(tag) =	ssettag $0x2  }
0x81: {  	s0 =	rddreg [dreg:$0x0];
	s2 =	stileid.u32  }
0x82: {  	s1 =	rddreg [dreg:$0x1];
	p0 =	sne.s32 s2, $0x0  }
0x83: {  	s3 =	rddreg [dreg:$0x2];
	[bflag:$0x3] =	sbarrier.arrive $0xFFFF;
	s2 =	simm.s32 @!p0 $0x1C01  }
0x84: {  	[timem:s3], [sflag:s2] =	dma.local @!p0 [hbm:s0], s1  }
0x85: {  	s0 =	simm.s32 @!p0 $0x1  }
0x86: {  	_ =	swait.ge @!p0 [sflag:s0], s1  }
0x87: {  	s1 =	ssub.s32 @!p0 $0x0, s1;
	[sflag:s0] =	ssyncset.done @!p0 $0x0  }
0x88: {  	[sflag:s0] =	ssyncadd.s32 @!p0 s1  }
0x89: {  	[bflag:$0x3] =	sbarrier.arrive $0xFFFF  }
0x8a: {  	_ =	shalt  }

</sc_bundles>
